<compile_context>
chip_gen: v7x
topology: tpu7x:2x2x1
jax: 0.10.2.dev20260603
libtpu: 0.0.44.dev20260713+nightly
codegen_flags: <defaults>
</compile_context>

<pallas_src>
import functools

import jax
import jax.numpy as jnp
from jax import lax
from jax.experimental import pallas as pl
from jax.experimental.pallas import tpu as pltpu
from jax.experimental.pallas import tpu_sc as plsc

VOCAB = 100000
FEAT = 64
ENTITY = 128

_NC = 2
_NS = 16
_NW = _NC * _NS

_ROW_BLOCK = 10000
_CH = 128
_NBUF = 2
_SPB = 2


def _proj_body(table_ref, w_ref, b_ref, out_ref):
    out_ref[...] = (
        jnp.dot(table_ref[...], w_ref[...], preferred_element_type=jnp.float32)
        + b_ref[...]
    )


def _project_table(table, W, b):
    return pl.pallas_call(
        _proj_body,
        grid=(VOCAB // _ROW_BLOCK,),
        in_specs=[
            pl.BlockSpec((_ROW_BLOCK, FEAT), lambda i: (i, 0)),
            pl.BlockSpec((FEAT, ENTITY), lambda i: (0, 0)),
            pl.BlockSpec((1, ENTITY), lambda i: (0, 0)),
        ],
        out_specs=pl.BlockSpec((_ROW_BLOCK, ENTITY), lambda i: (i, 0)),
        out_shape=jax.ShapeDtypeStruct((VOCAB, ENTITY), jnp.float32),
    )(table, W, b.reshape(1, ENTITY))


@functools.lru_cache(maxsize=None)
def _make_gather(total, bsz):
    n_per_w = total // _NW
    n_chunks = n_per_w // _CH
    n_super = n_chunks // _SPB
    n_groups = n_super // _NBUF
    mesh = plsc.VectorSubcoreMesh(core_axis_name="c", subcore_axis_name="s")

    scratch = [pltpu.VMEM((n_chunks, _CH), jnp.int32)]
    scratch += [pltpu.VMEM((_SPB * _CH, ENTITY), jnp.float32) for _ in range(_NBUF)]
    scratch += [pltpu.SemaphoreType.DMA for _ in range(2 * _NBUF)]

    @functools.partial(
        pl.kernel,
        mesh=mesh,
        out_type=jax.ShapeDtypeStruct((total // bsz, bsz, ENTITY), jnp.float32),
        scratch_types=scratch,
    )
    def gather_k(idx_hbm, proj_hbm, out_hbm, idx_v, *bufs):
        rows = bufs[:_NBUF]
        gsem = bufs[_NBUF:2 * _NBUF]
        osem = bufs[2 * _NBUF:]
        wid = lax.axis_index("s") * _NC + lax.axis_index("c")
        base = wid * n_per_w
        out_flat = out_hbm.reshape(total, ENTITY)
        pltpu.sync_copy(idx_hbm.at[wid], idx_v)

        def out_slice(s):
            return out_flat.at[pl.ds(base + s * _SPB * _CH, _SPB * _CH)]

        def group(g, carry):
            s0 = g * _NBUF
            handles = []
            for t in range(_NBUF):
                @pl.when(g > 0)
                def _():
                    pltpu.make_async_copy(
                        rows[t], out_slice(s0 - _NBUF + t), osem[t]
                    ).wait()
                handles.append([
                    pltpu.async_copy(
                        proj_hbm.at[idx_v.at[(s0 + t) * _SPB + r]],
                        rows[t].at[pl.ds(r * _CH, _CH)],
                        gsem[t],
                    )
                    for r in range(_SPB)
                ])
            for t in range(_NBUF):
                for h in handles[t]:
                    h.wait()
                pltpu.async_copy(rows[t], out_slice(s0 + t), osem[t])
            return carry

        lax.fori_loop(0, n_groups, group, 0)
        for t in range(_NBUF):
            pltpu.make_async_copy(
                rows[t], out_slice((n_groups - 1) * _NBUF + t), osem[t]
            ).wait()

    return gather_k


def kernel(x, table, W, b):
    bsz, seq = x.shape
    total = bsz * seq
    proj = _project_table(table, W, b)
    idx = jnp.transpose(x).reshape(_NW, total // _NW // _CH, _CH)
    out_t = _make_gather(total, bsz)(idx, proj)
    return jnp.transpose(out_t, (1, 0, 2))

# --- scband reference (transcript-rebuilt; emitter-appended) ---
"""Pipeline reference for scband-custom-embedding-50835232915820 (READ-ONLY COPY).

The authoritative reference and input builder live on the scoring server;
editing this copy changes nothing except your own understanding.
"""

import jax, jax.numpy as jnp
import numpy as np

VOCAB = 100000
FEAT = 64
ENTITY = 128
B = 16384
L = 50

def setup_inputs(seed: int = 0) -> dict:
    key = jax.random.key(seed)
    k1, k2, k3, k4 = jax.random.split(key, 4)
    x = jax.random.randint(k1, (B, L), 0, VOCAB, dtype=jnp.int64 if jax.config.jax_enable_x64 else jnp.int32).astype(jnp.int32)
    table = jax.random.normal(k2, (VOCAB, FEAT), dtype=jnp.float32)
    # _layer_init style: orthogonal-ish init approximated with scaled normal
    W = jax.random.normal(k3, (FEAT, ENTITY), dtype=jnp.float32) * (1.0 / np.sqrt(FEAT))
    b = jnp.zeros((ENTITY,), dtype=jnp.float32)
    return {"x": x, "table": table, "W": W, "b": b}

def reference(x, table, W, b):
    # nn.Embedding.from_pretrained: gather rows of the pretrained table
    emb = jnp.take(table, x, axis=0)  # [B, L, FEAT]
    # nn.Linear: emb @ W + b
    out = jnp.dot(emb, W) + b  # [B, L, ENTITY]
    return out

if __name__ == "__main__":
    import jax
    _d = setup_inputs()
    print(jax.jit(kernel)(*tuple(_d.values())))

</pallas_src>

<mosaic_0001>
#map = affine_map<(d0, d1) -> (0, 0, 0)>
#map1 = affine_map<(d0, d1) -> (0, 0)>
module attributes {stable_mosaic.version = 14 : i64} {
  func.func @gather_k(%arg0: i32, %arg1: i32, %arg2: memref<32x200x128xi32, #tpu.memory_space<hbm>>, %arg3: memref<100000x128xf32, #tpu.memory_space<hbm>>, %arg4: memref<50x16384x128xf32, #tpu.memory_space<hbm>>, %arg5: memref<200x128xi32, #tpu.memory_space<vmem>>, %arg6: memref<256x128xf32, #tpu.memory_space<vmem>>, %arg7: memref<256x128xf32, #tpu.memory_space<vmem>>, %arg8: memref<!tpu.dma_semaphore, #tpu.memory_space<semaphore_mem>>, %arg9: memref<!tpu.dma_semaphore, #tpu.memory_space<semaphore_mem>>, %arg10: memref<!tpu.dma_semaphore, #tpu.memory_space<semaphore_mem>>, %arg11: memref<!tpu.dma_semaphore, #tpu.memory_space<semaphore_mem>>) attributes {dimension_semantics = [#tpu.dimension_semantics<core_parallel>, #tpu.dimension_semantics<subcore_parallel>], iteration_bounds = array<i64: 2, 16>, scalar_prefetch = 0 : i64, scratch_operands = 7 : i64, tpu.core_type = #tpu.core_type<sc_vector_subcore>, window_params = [{transform_indices = #map}, {transform_indices = #map1}, {transform_indices = #map}]} {
    %mul3A = arith.constant 2 : i32
    %mul3A_0 = arith.muli %arg1, %mul3A : i32
    %add3A = arith.addi %mul3A_0, %arg0 : i32
    %mul3A_1 = arith.constant 25600 : i32
    %mul3A_2 = arith.muli %add3A, %mul3A_1 : i32
    "tpu.region"() ({
      %run_scoped3A = tpu.sem_alloc : memref<!tpu.dma_semaphore, #tpu.memory_space<semaphore_mem>>
      %dma_start3A = arith.constant 0 : i32
      %dma_start3A_23 = arith.constant 0 : i32
      %dma_start3A_24 = tpu.memref_slice %arg2[%add3A, %dma_start3A, %dma_start3A_23] : memref<32x200x128xi32, #tpu.memory_space<hbm>> -> memref<1x200x128xi32, #tpu.memory_space<hbm>>
      %dma_start3A_25 = tpu.memref_squeeze %dma_start3A_24 : memref<1x200x128xi32, #tpu.memory_space<hbm>> -> memref<200x128xi32, #tpu.memory_space<hbm>>
      %dma_start3A_26 = arith.constant 0 : i32
      %dma_start3A_27 = arith.constant 0 : i32
      %dma_start3A_28 = tpu.memref_slice %arg2[%add3A, %dma_start3A_26, %dma_start3A_27] : memref<32x200x128xi32, #tpu.memory_space<hbm>> -> memref<1x200x128xi32, #tpu.memory_space<hbm>>
      %dma_start3A_29 = tpu.memref_squeeze %dma_start3A_28 : memref<1x200x128xi32, #tpu.memory_space<hbm>> -> memref<200x128xi32, #tpu.memory_space<hbm>>
      tpu.enqueue_dma source(%dma_start3A_29 : memref<200x128xi32, #tpu.memory_space<hbm>>) target(%arg5 : memref<200x128xi32, #tpu.memory_space<vmem>>) target_semaphore(%run_scoped3A : memref<!tpu.dma_semaphore, #tpu.memory_space<semaphore_mem>>)
      %dma_wait3A_30 = arith.constant 0 : i32
      %dma_wait3A_31 = arith.constant 0 : i32
      %dma_wait3A_32 = tpu.memref_slice %arg2[%add3A, %dma_wait3A_30, %dma_wait3A_31] : memref<32x200x128xi32, #tpu.memory_space<hbm>> -> memref<1x200x128xi32, #tpu.memory_space<hbm>>
      %dma_wait3A_33 = tpu.memref_squeeze %dma_wait3A_32 : memref<1x200x128xi32, #tpu.memory_space<hbm>> -> memref<200x128xi32, #tpu.memory_space<hbm>>
      %dma_wait3A_34 = arith.constant 0 : i32
      %dma_wait3A_35 = arith.constant 0 : i32
      %dma_wait3A_36 = tpu.memref_slice %arg2[%add3A, %dma_wait3A_34, %dma_wait3A_35] : memref<32x200x128xi32, #tpu.memory_space<hbm>> -> memref<1x200x128xi32, #tpu.memory_space<hbm>>
      %dma_wait3A_37 = tpu.memref_squeeze %dma_wait3A_36 : memref<1x200x128xi32, #tpu.memory_space<hbm>> -> memref<200x128xi32, #tpu.memory_space<hbm>>
      tpu.wait_dma2 semaphore(%run_scoped3A : memref<!tpu.dma_semaphore, #tpu.memory_space<semaphore_mem>>) src(%dma_wait3A_37 : memref<200x128xi32, #tpu.memory_space<hbm>>) dst(%arg5 : memref<200x128xi32, #tpu.memory_space<vmem>>)
      tpu.yield
    }) : () -> ()
    %scan3A = arith.constant 0 : i32
    %scan3A_3 = arith.constant 0 : i32
    %scan3A_4 = arith.constant 50 : i32
    %scan3A_5 = arith.addi %scan3A_3, %scan3A_4 : i32
    %scan3A_6 = arith.constant 1 : i32
    scf.for %scan3A_23 = %scan3A_3 to %scan3A_5 step %scan3A_6  : i32 {
      %mul3A_24 = arith.constant 2 : i32
      %mul3A_25 = arith.muli %scan3A_23, %mul3A_24 : i32
      %gt3A = arith.constant 0 : i32
      %gt3A_26 = arith.cmpi sgt, %scan3A_23, %gt3A : i32
      %convert_element_type3A = arith.extui %gt3A_26 : i1 to i32
      %cond3A = arith.constant 0 : i32
      %cond3A_27 = arith.cmpi ne, %convert_element_type3A, %cond3A : i32
      scf.if %cond3A_27 {
        %sub3A = arith.constant 2 : i32
        %sub3A_154 = arith.subi %mul3A_25, %sub3A : i32
        %add3A_155 = arith.constant 0 : i32
        %add3A_156 = arith.addi %sub3A_154, %add3A_155 : i32
        %mul3A_157 = arith.constant 2 : i32
        %mul3A_158 = arith.muli %add3A_156, %mul3A_157 : i32
        %mul3A_159 = arith.constant 128 : i32
        %mul3A_160 = arith.muli %mul3A_158, %mul3A_159 : i32
        %add3A_161 = arith.addi %mul3A_2, %mul3A_160 : i32
        %dma_wait3A_162 = tpu.memref_reshape %arg4 : memref<50x16384x128xf32, #tpu.memory_space<hbm>> -> memref<819200x128xf32, #tpu.memory_space<hbm>>
        %dma_wait3A_163 = arith.constant 0 : i32
        %dma_wait3A_164 = tpu.memref_slice %dma_wait3A_162[%add3A_161, %dma_wait3A_163] : memref<819200x128xf32, #tpu.memory_space<hbm>> -> memref<256x128xf32, #tpu.memory_space<hbm>>
        %dma_wait3A_165 = tpu.memref_reshape %arg4 : memref<50x16384x128xf32, #tpu.memory_space<hbm>> -> memref<819200x128xf32, #tpu.memory_space<hbm>>
        %dma_wait3A_166 = arith.constant 0 : i32
        %dma_wait3A_167 = tpu.memref_slice %dma_wait3A_165[%add3A_161, %dma_wait3A_166] : memref<819200x128xf32, #tpu.memory_space<hbm>> -> memref<256x128xf32, #tpu.memory_space<hbm>>
        tpu.wait_dma2 semaphore(%arg10 : memref<!tpu.dma_semaphore, #tpu.memory_space<semaphore_mem>>) src(%arg6 : memref<256x128xf32, #tpu.memory_space<vmem>>) dst(%dma_wait3A_167 : memref<256x128xf32, #tpu.memory_space<hbm>>)
      } else {
      }
      %add3A_28 = arith.constant 0 : i32
      %add3A_29 = arith.addi %mul3A_25, %add3A_28 : i32
      %mul3A_30 = arith.constant 2 : i32
      %mul3A_31 = arith.muli %add3A_29, %mul3A_30 : i32
      %add3A_32 = arith.constant 0 : i32
      %add3A_33 = arith.addi %mul3A_31, %add3A_32 : i32
      %dma_start3A = arith.constant 0 : i32
      %dma_start3A_34 = arith.constant 0 : i32
      %dma_start3A_35 = tpu.memref_slice %arg6[%dma_start3A, %dma_start3A_34] : memref<256x128xf32, #tpu.memory_space<vmem>> -> memref<128x128xf32, #tpu.memory_space<vmem>>
      %dma_start3A_36 = arith.constant 0 : i32
      %dma_start3A_37 = tpu.memref_slice %arg5[%add3A_33, %dma_start3A_36] : memref<200x128xi32, #tpu.memory_space<vmem>> -> memref<1x128xi32, #tpu.memory_space<vmem>>
      %dma_start3A_38 = tpu.memref_squeeze %dma_start3A_37 : memref<1x128xi32, #tpu.memory_space<vmem>> -> memref<128xi32, #tpu.memory_space<vmem>>
      %dma_start3A_39 = arith.constant 0 : i32
      %dma_start3A_40 = arith.constant 0 : i32
      %dma_start3A_41 = tpu.memref_slice %arg3[%dma_start3A_39, %dma_start3A_40] : memref<100000x128xf32, #tpu.memory_space<hbm>> -> memref<100000x128xf32, #tpu.memory_space<hbm>>
      tpu.enqueue_indirect_dma source(%dma_start3A_41 : memref<100000x128xf32, #tpu.memory_space<hbm>>) target(%dma_start3A_35 : memref<128x128xf32, #tpu.memory_space<vmem>>) offsets(%dma_start3A_38 : memref<128xi32, #tpu.memory_space<vmem>>) semaphore(%arg8 : memref<!tpu.dma_semaphore, #tpu.memory_space<semaphore_mem>>)
      %add3A_42 = arith.constant 0 : i32
      %add3A_43 = arith.addi %mul3A_25, %add3A_42 : i32
      %mul3A_44 = arith.constant 2 : i32
      %mul3A_45 = arith.muli %add3A_43, %mul3A_44 : i32
      %add3A_46 = arith.constant 1 : i32
      %add3A_47 = arith.addi %mul3A_45, %add3A_46 : i32
      %dma_start3A_48 = arith.constant 128 : i32
      %dma_start3A_49 = arith.constant 0 : i32
      %dma_start3A_50 = tpu.memref_slice %arg6[%dma_start3A_48, %dma_start3A_49] : memref<256x128xf32, #tpu.memory_space<vmem>> -> memref<128x128xf32, #tpu.memory_space<vmem>>
      %dma_start3A_51 = arith.constant 0 : i32
      %dma_start3A_52 = tpu.memref_slice %arg5[%add3A_47, %dma_start3A_51] : memref<200x128xi32, #tpu.memory_space<vmem>> -> memref<1x128xi32, #tpu.memory_space<vmem>>
      %dma_start3A_53 = tpu.memref_squeeze %dma_start3A_52 : memref<1x128xi32, #tpu.memory_space<vmem>> -> memref<128xi32, #tpu.memory_space<vmem>>
      %dma_start3A_54 = arith.constant 0 : i32
      %dma_start3A_55 = arith.constant 0 : i32
      %dma_start3A_56 = tpu.memref_slice %arg3[%dma_start3A_54, %dma_start3A_55] : memref<100000x128xf32, #tpu.memory_space<hbm>> -> memref<100000x128xf32, #tpu.memory_space<hbm>>
      tpu.enqueue_indirect_dma source(%dma_start3A_56 : memref<100000x128xf32, #tpu.memory_space<hbm>>) target(%dma_start3A_50 : memref<128x128xf32, #tpu.memory_space<vmem>>) offsets(%dma_start3A_53 : memref<128xi32, #tpu.memory_space<vmem>>) semaphore(%arg8 : memref<!tpu.dma_semaphore, #tpu.memory_space<semaphore_mem>>)
      %gt3A_57 = arith.constant 0 : i32
      %gt3A_58 = arith.cmpi sgt, %scan3A_23, %gt3A_57 : i32
      %convert_element_type3A_59 = arith.extui %gt3A_58 : i1 to i32
      %cond3A_60 = arith.constant 0 : i32
      %cond3A_61 = arith.cmpi ne, %convert_element_type3A_59, %cond3A_60 : i32
      scf.if %cond3A_61 {
        %sub3A = arith.constant 2 : i32
        %sub3A_154 = arith.subi %mul3A_25, %sub3A : i32
        %add3A_155 = arith.constant 1 : i32
        %add3A_156 = arith.addi %sub3A_154, %add3A_155 : i32
        %mul3A_157 = arith.constant 2 : i32
        %mul3A_158 = arith.muli %add3A_156, %mul3A_157 : i32
        %mul3A_159 = arith.constant 128 : i32
        %mul3A_160 = arith.muli %mul3A_158, %mul3A_159 : i32
        %add3A_161 = arith.addi %mul3A_2, %mul3A_160 : i32
        %dma_wait3A_162 = tpu.memref_reshape %arg4 : memref<50x16384x128xf32, #tpu.memory_space<hbm>> -> memref<819200x128xf32, #tpu.memory_space<hbm>>
        %dma_wait3A_163 = arith.constant 0 : i32
        %dma_wait3A_164 = tpu.memref_slice %dma_wait3A_162[%add3A_161, %dma_wait3A_163] : memref<819200x128xf32, #tpu.memory_space<hbm>> -> memref<256x128xf32, #tpu.memory_space<hbm>>
        %dma_wait3A_165 = tpu.memref_reshape %arg4 : memref<50x16384x128xf32, #tpu.memory_space<hbm>> -> memref<819200x128xf32, #tpu.memory_space<hbm>>
        %dma_wait3A_166 = arith.constant 0 : i32
        %dma_wait3A_167 = tpu.memref_slice %dma_wait3A_165[%add3A_161, %dma_wait3A_166] : memref<819200x128xf32, #tpu.memory_space<hbm>> -> memref<256x128xf32, #tpu.memory_space<hbm>>
        tpu.wait_dma2 semaphore(%arg11 : memref<!tpu.dma_semaphore, #tpu.memory_space<semaphore_mem>>) src(%arg7 : memref<256x128xf32, #tpu.memory_space<vmem>>) dst(%dma_wait3A_167 : memref<256x128xf32, #tpu.memory_space<hbm>>)
      } else {
      }
      %add3A_62 = arith.constant 1 : i32
      %add3A_63 = arith.addi %mul3A_25, %add3A_62 : i32
      %mul3A_64 = arith.constant 2 : i32
      %mul3A_65 = arith.muli %add3A_63, %mul3A_64 : i32
      %add3A_66 = arith.constant 0 : i32
      %add3A_67 = arith.addi %mul3A_65, %add3A_66 : i32
      %dma_start3A_68 = arith.constant 0 : i32
      %dma_start3A_69 = arith.constant 0 : i32
      %dma_start3A_70 = tpu.memref_slice %arg7[%dma_start3A_68, %dma_start3A_69] : memref<256x128xf32, #tpu.memory_space<vmem>> -> memref<128x128xf32, #tpu.memory_space<vmem>>
      %dma_start3A_71 = arith.constant 0 : i32
      %dma_start3A_72 = tpu.memref_slice %arg5[%add3A_67, %dma_start3A_71] : memref<200x128xi32, #tpu.memory_space<vmem>> -> memref<1x128xi32, #tpu.memory_space<vmem>>
      %dma_start3A_73 = tpu.memref_squeeze %dma_start3A_72 : memref<1x128xi32, #tpu.memory_space<vmem>> -> memref<128xi32, #tpu.memory_space<vmem>>
      %dma_start3A_74 = arith.constant 0 : i32
      %dma_start3A_75 = arith.constant 0 : i32
      %dma_start3A_76 = tpu.memref_slice %arg3[%dma_start3A_74, %dma_start3A_75] : memref<100000x128xf32, #tpu.memory_space<hbm>> -> memref<100000x128xf32, #tpu.memory_space<hbm>>
      tpu.enqueue_indirect_dma source(%dma_start3A_76 : memref<100000x128xf32, #tpu.memory_space<hbm>>) target(%dma_start3A_70 : memref<128x128xf32, #tpu.memory_space<vmem>>) offsets(%dma_start3A_73 : memref<128xi32, #tpu.memory_space<vmem>>) semaphore(%arg9 : memref<!tpu.dma_semaphore, #tpu.memory_space<semaphore_mem>>)
      %add3A_77 = arith.constant 1 : i32
      %add3A_78 = arith.addi %mul3A_25, %add3A_77 : i32
      %mul3A_79 = arith.constant 2 : i32
      %mul3A_80 = arith.muli %add3A_78, %mul3A_79 : i32
      %add3A_81 = arith.constant 1 : i32
      %add3A_82 = arith.addi %mul3A_80, %add3A_81 : i32
      %dma_start3A_83 = arith.constant 128 : i32
      %dma_start3A_84 = arith.constant 0 : i32
      %dma_start3A_85 = tpu.memref_slice %arg7[%dma_start3A_83, %dma_start3A_84] : memref<256x128xf32, #tpu.memory_space<vmem>> -> memref<128x128xf32, #tpu.memory_space<vmem>>
      %dma_start3A_86 = arith.constant 0 : i32
      %dma_start3A_87 = tpu.memref_slice %arg5[%add3A_82, %dma_start3A_86] : memref<200x128xi32, #tpu.memory_space<vmem>> -> memref<1x128xi32, #tpu.memory_space<vmem>>
      %dma_start3A_88 = tpu.memref_squeeze %dma_start3A_87 : memref<1x128xi32, #tpu.memory_space<vmem>> -> memref<128xi32, #tpu.memory_space<vmem>>
      %dma_start3A_89 = arith.constant 0 : i32
      %dma_start3A_90 = arith.constant 0 : i32
      %dma_start3A_91 = tpu.memref_slice %arg3[%dma_start3A_89, %dma_start3A_90] : memref<100000x128xf32, #tpu.memory_space<hbm>> -> memref<100000x128xf32, #tpu.memory_space<hbm>>
      tpu.enqueue_indirect_dma source(%dma_start3A_91 : memref<100000x128xf32, #tpu.memory_space<hbm>>) target(%dma_start3A_85 : memref<128x128xf32, #tpu.memory_space<vmem>>) offsets(%dma_start3A_88 : memref<128xi32, #tpu.memory_space<vmem>>) semaphore(%arg9 : memref<!tpu.dma_semaphore, #tpu.memory_space<semaphore_mem>>)
      %dma_wait3A_92 = arith.constant 0 : i32
      %dma_wait3A_93 = arith.constant 0 : i32
      %dma_wait3A_94 = tpu.memref_slice %arg6[%dma_wait3A_92, %dma_wait3A_93] : memref<256x128xf32, #tpu.memory_space<vmem>> -> memref<128x128xf32, #tpu.memory_space<vmem>>
      %dma_wait3A_95 = arith.constant 0 : i32
      %dma_wait3A_96 = tpu.memref_slice %arg5[%add3A_33, %dma_wait3A_95] : memref<200x128xi32, #tpu.memory_space<vmem>> -> memref<1x128xi32, #tpu.memory_space<vmem>>
      %dma_wait3A_97 = tpu.memref_squeeze %dma_wait3A_96 : memref<1x128xi32, #tpu.memory_space<vmem>> -> memref<128xi32, #tpu.memory_space<vmem>>
      %dma_wait3A_98 = arith.constant 0 : i32
      %dma_wait3A_99 = arith.constant 0 : i32
      %dma_wait3A_100 = tpu.memref_slice %arg3[%dma_wait3A_98, %dma_wait3A_99] : memref<100000x128xf32, #tpu.memory_space<hbm>> -> memref<100000x128xf32, #tpu.memory_space<hbm>>
      tpu.wait_indirect_dma semaphore(%arg8 : memref<!tpu.dma_semaphore, #tpu.memory_space<semaphore_mem>>) src(%dma_wait3A_100 : memref<100000x128xf32, #tpu.memory_space<hbm>>) dst(%dma_wait3A_94 : memref<128x128xf32, #tpu.memory_space<vmem>>)
      %dma_wait3A_101 = arith.constant 128 : i32
      %dma_wait3A_102 = arith.constant 0 : i32
      %dma_wait3A_103 = tpu.memref_slice %arg6[%dma_wait3A_101, %dma_wait3A_102] : memref<256x128xf32, #tpu.memory_space<vmem>> -> memref<128x128xf32, #tpu.memory_space<vmem>>
      %dma_wait3A_104 = arith.constant 0 : i32
      %dma_wait3A_105 = tpu.memref_slice %arg5[%add3A_47, %dma_wait3A_104] : memref<200x128xi32, #tpu.memory_space<vmem>> -> memref<1x128xi32, #tpu.memory_space<vmem>>
      %dma_wait3A_106 = tpu.memref_squeeze %dma_wait3A_105 : memref<1x128xi32, #tpu.memory_space<vmem>> -> memref<128xi32, #tpu.memory_space<vmem>>
      %dma_wait3A_107 = arith.constant 0 : i32
      %dma_wait3A_108 = arith.constant 0 : i32
      %dma_wait3A_109 = tpu.memref_slice %arg3[%dma_wait3A_107, %dma_wait3A_108] : memref<100000x128xf32, #tpu.memory_space<hbm>> -> memref<100000x128xf32, #tpu.memory_space<hbm>>
      tpu.wait_indirect_dma semaphore(%arg8 : memref<!tpu.dma_semaphore, #tpu.memory_space<semaphore_mem>>) src(%dma_wait3A_109 : memref<100000x128xf32, #tpu.memory_space<hbm>>) dst(%dma_wait3A_103 : memref<128x128xf32, #tpu.memory_space<vmem>>)
      %add3A_110 = arith.constant 0 : i32
      %add3A_111 = arith.addi %mul3A_25, %add3A_110 : i32
      %mul3A_112 = arith.constant 2 : i32
      %mul3A_113 = arith.muli %add3A_111, %mul3A_112 : i32
      %mul3A_114 = arith.constant 128 : i32
      %mul3A_115 = arith.muli %mul3A_113, %mul3A_114 : i32
      %add3A_116 = arith.addi %mul3A_2, %mul3A_115 : i32
      %dma_start3A_117 = tpu.memref_reshape %arg4 : memref<50x16384x128xf32, #tpu.memory_space<hbm>> -> memref<819200x128xf32, #tpu.memory_space<hbm>>
      %dma_start3A_118 = arith.constant 0 : i32
      %dma_start3A_119 = tpu.memref_slice %dma_start3A_117[%add3A_116, %dma_start3A_118] : memref<819200x128xf32, #tpu.memory_space<hbm>> -> memref<256x128xf32, #tpu.memory_space<hbm>>
      %dma_start3A_120 = tpu.memref_reshape %arg4 : memref<50x16384x128xf32, #tpu.memory_space<hbm>> -> memref<819200x128xf32, #tpu.memory_space<hbm>>
      %dma_start3A_121 = arith.constant 0 : i32
      %dma_start3A_122 = tpu.memref_slice %dma_start3A_120[%add3A_116, %dma_start3A_121] : memref<819200x128xf32, #tpu.memory_space<hbm>> -> memref<256x128xf32, #tpu.memory_space<hbm>>
      tpu.enqueue_dma source(%arg6 : memref<256x128xf32, #tpu.memory_space<vmem>>) target(%dma_start3A_122 : memref<256x128xf32, #tpu.memory_space<hbm>>) target_semaphore(%arg10 : memref<!tpu.dma_semaphore, #tpu.memory_space<semaphore_mem>>)
      %dma_wait3A_123 = arith.constant 0 : i32
      %dma_wait3A_124 = arith.constant 0 : i32
      %dma_wait3A_125 = tpu.memref_slice %arg7[%dma_wait3A_123, %dma_wait3A_124] : memref<256x128xf32, #tpu.memory_space<vmem>> -> memref<128x128xf32, #tpu.memory_space<vmem>>
      %dma_wait3A_126 = arith.constant 0 : i32
      %dma_wait3A_127 = tpu.memref_slice %arg5[%add3A_67, %dma_wait3A_126] : memref<200x128xi32, #tpu.memory_space<vmem>> -> memref<1x128xi32, #tpu.memory_space<vmem>>
      %dma_wait3A_128 = tpu.memref_squeeze %dma_wait3A_127 : memref<1x128xi32, #tpu.memory_space<vmem>> -> memref<128xi32, #tpu.memory_space<vmem>>
      %dma_wait3A_129 = arith.constant 0 : i32
      %dma_wait3A_130 = arith.constant 0 : i32
      %dma_wait3A_131 = tpu.memref_slice %arg3[%dma_wait3A_129, %dma_wait3A_130] : memref<100000x128xf32, #tpu.memory_space<hbm>> -> memref<100000x128xf32, #tpu.memory_space<hbm>>
      tpu.wait_indirect_dma semaphore(%arg9 : memref<!tpu.dma_semaphore, #tpu.memory_space<semaphore_mem>>) src(%dma_wait3A_131 : memref<100000x128xf32, #tpu.memory_space<hbm>>) dst(%dma_wait3A_125 : memref<128x128xf32, #tpu.memory_space<vmem>>)
      %dma_wait3A_132 = arith.constant 128 : i32
      %dma_wait3A_133 = arith.constant 0 : i32
      %dma_wait3A_134 = tpu.memref_slice %arg7[%dma_wait3A_132, %dma_wait3A_133] : memref<256x128xf32, #tpu.memory_space<vmem>> -> memref<128x128xf32, #tpu.memory_space<vmem>>
      %dma_wait3A_135 = arith.constant 0 : i32
      %dma_wait3A_136 = tpu.memref_slice %arg5[%add3A_82, %dma_wait3A_135] : memref<200x128xi32, #tpu.memory_space<vmem>> -> memref<1x128xi32, #tpu.memory_space<vmem>>
      %dma_wait3A_137 = tpu.memref_squeeze %dma_wait3A_136 : memref<1x128xi32, #tpu.memory_space<vmem>> -> memref<128xi32, #tpu.memory_space<vmem>>
      %dma_wait3A_138 = arith.constant 0 : i32
      %dma_wait3A_139 = arith.constant 0 : i32
      %dma_wait3A_140 = tpu.memref_slice %arg3[%dma_wait3A_138, %dma_wait3A_139] : memref<100000x128xf32, #tpu.memory_space<hbm>> -> memref<100000x128xf32, #tpu.memory_space<hbm>>
      tpu.wait_indirect_dma semaphore(%arg9 : memref<!tpu.dma_semaphore, #tpu.memory_space<semaphore_mem>>) src(%dma_wait3A_140 : memref<100000x128xf32, #tpu.memory_space<hbm>>) dst(%dma_wait3A_134 : memref<128x128xf32, #tpu.memory_space<vmem>>)
      %add3A_141 = arith.constant 1 : i32
      %add3A_142 = arith.addi %mul3A_25, %add3A_141 : i32
      %mul3A_143 = arith.constant 2 : i32
      %mul3A_144 = arith.muli %add3A_142, %mul3A_143 : i32
      %mul3A_145 = arith.constant 128 : i32
      %mul3A_146 = arith.muli %mul3A_144, %mul3A_145 : i32
      %add3A_147 = arith.addi %mul3A_2, %mul3A_146 : i32
      %dma_start3A_148 = tpu.memref_reshape %arg4 : memref<50x16384x128xf32, #tpu.memory_space<hbm>> -> memref<819200x128xf32, #tpu.memory_space<hbm>>
      %dma_start3A_149 = arith.constant 0 : i32
      %dma_start3A_150 = tpu.memref_slice %dma_start3A_148[%add3A_147, %dma_start3A_149] : memref<819200x128xf32, #tpu.memory_space<hbm>> -> memref<256x128xf32, #tpu.memory_space<hbm>>
      %dma_start3A_151 = tpu.memref_reshape %arg4 : memref<50x16384x128xf32, #tpu.memory_space<hbm>> -> memref<819200x128xf32, #tpu.memory_space<hbm>>
      %dma_start3A_152 = arith.constant 0 : i32
      %dma_start3A_153 = tpu.memref_slice %dma_start3A_151[%add3A_147, %dma_start3A_152] : memref<819200x128xf32, #tpu.memory_space<hbm>> -> memref<256x128xf32, #tpu.memory_space<hbm>>
      tpu.enqueue_dma source(%arg7 : memref<256x128xf32, #tpu.memory_space<vmem>>) target(%dma_start3A_153 : memref<256x128xf32, #tpu.memory_space<hbm>>) target_semaphore(%arg11 : memref<!tpu.dma_semaphore, #tpu.memory_space<semaphore_mem>>)
    }
    %scan3A_7 = arith.constant 50 : i32
    %add3A_8 = arith.constant 25088 : i32
    %add3A_9 = arith.addi %mul3A_2, %add3A_8 : i32
    %dma_wait3A = tpu.memref_reshape %arg4 : memref<50x16384x128xf32, #tpu.memory_space<hbm>> -> memref<819200x128xf32, #tpu.memory_space<hbm>>
    %dma_wait3A_10 = arith.constant 0 : i32
    %dma_wait3A_11 = tpu.memref_slice %dma_wait3A[%add3A_9, %dma_wait3A_10] : memref<819200x128xf32, #tpu.memory_space<hbm>> -> memref<256x128xf32, #tpu.memory_space<hbm>>
    %dma_wait3A_12 = tpu.memref_reshape %arg4 : memref<50x16384x128xf32, #tpu.memory_space<hbm>> -> memref<819200x128xf32, #tpu.memory_space<hbm>>
    %dma_wait3A_13 = arith.constant 0 : i32
    %dma_wait3A_14 = tpu.memref_slice %dma_wait3A_12[%add3A_9, %dma_wait3A_13] : memref<819200x128xf32, #tpu.memory_space<hbm>> -> memref<256x128xf32, #tpu.memory_space<hbm>>
    tpu.wait_dma2 semaphore(%arg10 : memref<!tpu.dma_semaphore, #tpu.memory_space<semaphore_mem>>) src(%arg6 : memref<256x128xf32, #tpu.memory_space<vmem>>) dst(%dma_wait3A_14 : memref<256x128xf32, #tpu.memory_space<hbm>>)
    %add3A_15 = arith.constant 25344 : i32
    %add3A_16 = arith.addi %mul3A_2, %add3A_15 : i32
    %dma_wait3A_17 = tpu.memref_reshape %arg4 : memref<50x16384x128xf32, #tpu.memory_space<hbm>> -> memref<819200x128xf32, #tpu.memory_space<hbm>>
    %dma_wait3A_18 = arith.constant 0 : i32
    %dma_wait3A_19 = tpu.memref_slice %dma_wait3A_17[%add3A_16, %dma_wait3A_18] : memref<819200x128xf32, #tpu.memory_space<hbm>> -> memref<256x128xf32, #tpu.memory_space<hbm>>
    %dma_wait3A_20 = tpu.memref_reshape %arg4 : memref<50x16384x128xf32, #tpu.memory_space<hbm>> -> memref<819200x128xf32, #tpu.memory_space<hbm>>
    %dma_wait3A_21 = arith.constant 0 : i32
    %dma_wait3A_22 = tpu.memref_slice %dma_wait3A_20[%add3A_16, %dma_wait3A_21] : memref<819200x128xf32, #tpu.memory_space<hbm>> -> memref<256x128xf32, #tpu.memory_space<hbm>>
    tpu.wait_dma2 semaphore(%arg11 : memref<!tpu.dma_semaphore, #tpu.memory_space<semaphore_mem>>) src(%arg7 : memref<256x128xf32, #tpu.memory_space<vmem>>) dst(%dma_wait3A_22 : memref<256x128xf32, #tpu.memory_space<hbm>>)
    return
  }
}

module attributes {stable_mosaic.version = 14 : i64} {
  func.func @_proj_body(%arg0: i32, %arg1: memref<10000x64xf32, #tpu.memory_space<vmem>>, %arg2: memref<64x128xf32, #tpu.memory_space<vmem>>, %arg3: memref<1x128xf32, #tpu.memory_space<vmem>>, %arg4: memref<10000x128xf32, #tpu.memory_space<vmem>>) attributes {dimension_semantics = [#tpu.dimension_semantics<arbitrary>], iteration_bounds = array<i64: 10>, scalar_prefetch = 0 : i64, scratch_operands = 0 : i64, tpu.core_type = #tpu.core_type<tc>, window_params = [{transform_indices = @transform_0, window_bounds = array<i64: 10000, 64>}, {pipeline_mode = #tpu.pipeline_mode<synchronous>, transform_indices = @transform_1, window_bounds = array<i64: 64, 128>}, {pipeline_mode = #tpu.pipeline_mode<synchronous>, transform_indices = @transform_2, window_bounds = array<i64: 1, 128>}, {transform_indices = @transform_3, window_bounds = array<i64: 10000, 128>}]} {
    %get3A = arith.constant 0 : index
    %get3A_0 = arith.constant 0 : index
    %get3A_1 = vector.load %arg1[%get3A, %get3A_0] : memref<10000x64xf32, #tpu.memory_space<vmem>>, vector<10000x64xf32>
    %get3A_2 = arith.constant 0 : index
    %get3A_3 = arith.constant 0 : index
    %get3A_4 = vector.load %arg2[%get3A_2, %get3A_3] : memref<64x128xf32, #tpu.memory_space<vmem>>, vector<64x128xf32>
    %dot_general3A = arith.constant dense<0.000000e+00> : vector<10000x128xf32>
    %dot_general3A_5 = tpu.matmul %get3A_1, %get3A_4, %dot_general3A {dimension_numbers = #tpu.dot_dimension_numbers<[1], [0], [0], [1], [0, 0, 1, 1], [], []>, transpose_lhs_hint = false} : vector<10000x64xf32>, vector<64x128xf32>, vector<10000x128xf32> -> vector<10000x128xf32>
    %get3A_6 = arith.constant 0 : index
    %get3A_7 = arith.constant 0 : index
    %get3A_8 = vector.load %arg3[%get3A_6, %get3A_7] : memref<1x128xf32, #tpu.memory_space<vmem>>, vector<1x128xf32>
    %add3A = vector.broadcast %get3A_8 : vector<1x128xf32> to vector<10000x128xf32>
    %add3A_9 = arith.addf %dot_general3A_5, %add3A : vector<10000x128xf32>
    %swap3A = arith.constant 0 : index
    %swap3A_10 = arith.constant 0 : index
    %swap3A_11 = vector.load %arg4[%swap3A, %swap3A_10] : memref<10000x128xf32, #tpu.memory_space<vmem>>, vector<10000x128xf32>
    tpu.vector_store %arg4[%swap3A, %swap3A_10], %add3A_9 {strides = array<i32>} : memref<10000x128xf32, #tpu.memory_space<vmem>>, vector<10000x128xf32>,
    return
  }
  func.func @transform_0(%arg0: i32) -> (i32, i32) {
    %c0_i32 = arith.constant 0 : i32
    %c0_i32_0 = arith.constant 0 : i32
    return %arg0, %c0_i32 : i32, i32
  }
  func.func @transform_1(%arg0: i32) -> (i32, i32) {
    %c0_i32 = arith.constant 0 : i32
    %c0_i32_0 = arith.constant 0 : i32
    %c0_i32_1 = arith.constant 0 : i32
    return %c0_i32, %c0_i32_0 : i32, i32
  }
  func.func @transform_2(%arg0: i32) -> (i32, i32) {
    %c0_i32 = arith.constant 0 : i32
    %c0_i32_0 = arith.constant 0 : i32
    %c0_i32_1 = arith.constant 0 : i32
    return %c0_i32, %c0_i32_0 : i32, i32
  }
  func.func @transform_3(%arg0: i32) -> (i32, i32) {
    %c0_i32 = arith.constant 0 : i32
    %c0_i32_0 = arith.constant 0 : i32
    return %arg0, %c0_i32 : i32, i32
  }
}

</mosaic_0001>

<sc_bundles>
// kernel: kernel.4.cloned.1.call-start
scs
__scs_entry_jumppad:
0x0: {  	(pc) =	sbr.rel $0x88, $3  }
0x1: {  	(tag) =	ssettag $0x0;
	lr =	simm.s32 $0x1  }
0x2: {  	[smem:$0x3F9D] =	sst lr;
	_ =	strace $0xD0000000  }
0x3: {  	_ = 	snop  }
0x4: {  	_ = 	snop  }
0x5: {  	_ = 	snop  }
0x6: {  	_ = 	snop  }
0x7: {  	_ = 	snop  }
__scs_overlays_trampoline_lowered:
0x8: {  	[smem:$0x3FAC] =	sst s0  }
0x9: {  	[smem:$0x3FAD] =	sst s1  }
0xa: {  	[smem:$0x3FAE] =	sst s2  }
0xb: {  	[smem:$0x3FAF] =	sst s3  }
0xc: {  	[smem:$0x3FB0] =	sst s4  }
0xd: {  	[smem:$0x3FB1] =	sst s5  }
0xe: {  	[smem:$0x3FB2] =	sst s6  }
0xf: {  	[smem:$0x3FB3] =	sst s7  }
0x10: {  	[smem:$0x3FB4] =	sst s8  }
0x11: {  	[smem:$0x3FB5] =	sst s9;
	s0 =	simm.s32 @!p0 $0x0  }
0x12: {  	s1 =	sld [smem:$0x3F9B];
	s0 =	simm.s32 @p0 $0x1  }
0x13: {  	[smem:$0x3FB6] =	sst s0;
	s0 =	simm.s32 @!p1 $0x0  }
0x14: {  	s2 =	sld [smem:$0x3F9A];
	s0 =	simm.s32 @p1 $0x1  }
0x15: {  	[smem:$0x3FB7] =	sst s0;
	s0 =	simm.s32 @!p2 $0x0  }
0x16: {  	s3 =	sld [smem:$0x3FDB];
	s0 =	simm.s32 @p2 $0x1  }
0x17: {  	s4 =	simm.s32 $0x1BF5;
	[smem:$0x3FB9] =	sst s0  }
0x18: {  	s0 =	sld [smem:$0x3F9C];
	_ =	swait.ge [sflag:s4], $0x0  }
0x19: {  	s7 =	sld [smem:$0x3F9D]  }
0x1a: {  	s8 =	sadd.s32 $0xFFFFE003, lr  }
0x1b: {  	s9 =	sadd.s32 $0xFFFFFEF7, lr;
	s5 =	simm.s32 $0xFFFFFFFF;
	p2 =	slt.u32 s8, $0xFFFFF086  }
0x1c: {  	p1 =	slt.u32 s9, $0xF7A;
	s5 =	simm.s32 @!p2 $0x0  }
0x1d: {  	s5 =	simm.s32 @p1 $0x1;
	p0 =	seq.s32 s7, s2  }
0x1e: {  	s7 =	smul.u32 @!p0 $0xF7A, s2;
	p2 =	seq.s32 @!p0 s5, $0x0  }
0x1f: {  	s9 =	smul.u32 $0xF7A, s1;
	s8 =	simm.s32 @!p0 $0x1BF5;
	p2 =	por !p2, p0  }
0x20: {  	[sflag:s8] =	ssyncset.s32 @!p0 $0xFFFFF086;
	s6 =	sadd.s32 @!p0 s3, s7;
	s7 =	simm.s32 @!p0 $0x108  }
0x21: {  	s3 =	sadd.s32 s3, s9;
	s6 =	sadd.s32 @!p0 $0x88, s6;
	s7 =	simm.s32 @p2 $0x1082  }
0x22: {  	[simem:s7], [sflag:s8] =	dma.local @!p0 [hbm:s6], $0xF7A  }
0x23: {  	s9 =	sor.u32 $0xD0000000, s2;
	s6 =	simm.s32 $0x108;
	_ =	swait.ge @!p0 [sflag:s8], $0x0  }
0x24: {  	s3 =	sadd.s32 $0x88, s3;
	s6 =	simm.s32 @!p1 $0x1082;
	[sflag:s4] =	ssyncset.s32 $0xFFFFF086  }
0x25: {  	[simem:s6], [sflag:s4] =	dma.local [hbm:s3], $0xF7A  }
0x26: {  	[smem:$0x3F9D] =	sst s1;
	(tag) =	ssettag s2;
	_ =	strace s9  }
0x27: {  	s1 =	sld [smem:$0x3FAD]  }
0x28: {  	s2 =	sld [smem:$0x3FAE]  }
0x29: {  	s4 =	sld [smem:$0x3FB0]  }
0x2a: {  	p0 =	seq.s32 s5, $0x0;
	s5 =	sld [smem:$0x3FB1]  }
0x2b: {  	s6 =	sld [smem:$0x3FB2]  }
0x2c: {  	s7 =	sld [smem:$0x3FB3]  }
0x2d: {  	s3 =	simm.s32 $0x108;
	s8 =	sld [smem:$0x3FB4]  }
0x2e: {  	s3 =	simm.s32 @!p0 $0x1082;
	s9 =	sld [smem:$0x3FB5]  }
0x2f: {  	lr =	sadd.s32 s0, s3;
	s0 =	sld [smem:$0x3FAC]  }
0x30: {  	s3 =	sld [smem:$0x3FAF]  }
0x31: {  	[smem:$0x3FB8] =	sst s10  }
0x32: {  	s10 =	sld [smem:$0x3FB6];
	_ =	sdelay $0x3  }
0x33: {  	p0 =	seq.s32 s10, $0x1;
	s10 =	sld [smem:$0x3FB8];
	_ =	sdelay $0x3  }
0x34: {  	[smem:$0x3FB8] =	sst s10  }
0x35: {  	s10 =	sld [smem:$0x3FB7];
	_ =	sdelay $0x3  }
0x36: {  	p1 =	seq.s32 s10, $0x1;
	s10 =	sld [smem:$0x3FB8];
	_ =	sdelay $0x3  }
0x37: {  	[smem:$0x3FB8] =	sst s10  }
0x38: {  	s10 =	sld [smem:$0x3FB9]  }
0x39: {  	_ = 	snop;
	(pc) =	sbr.ind lr, $3  }
0x3a: {  	_ = 	snop  }
0x3b: {  	_ = 	snop  }
0x3c: {  	p2 =	seq.s32 s10, $0x1;
	s10 =	sld [smem:$0x3FB8]  }
0x3d: {  	_ =	shalt  }
0x3e: {  	_ =	shalt  }
0x3f: {  	_ =	shalt  }
0x40: {  	_ =	shalt  }
0x41: {  	_ =	shalt  }
0x42: {  	_ =	shalt  }
0x43: {  	_ =	shalt  }
0x44: {  	_ =	shalt  }
0x45: {  	_ =	shalt  }
0x46: {  	_ =	shalt  }
0x47: {  	_ =	shalt  }
0x48: {  	_ =	shalt  }
0x49: {  	_ =	shalt  }
0x4a: {  	_ =	shalt  }
0x4b: {  	_ =	shalt  }
0x4c: {  	_ =	shalt  }
0x4d: {  	_ =	shalt  }
0x4e: {  	_ =	shalt  }
0x4f: {  	_ =	shalt  }
0x50: {  	_ =	shalt  }
0x51: {  	_ =	shalt  }
0x52: {  	_ =	shalt  }
0x53: {  	_ =	shalt  }
0x54: {  	_ =	shalt  }
0x55: {  	_ =	shalt  }
0x56: {  	_ =	shalt  }
0x57: {  	_ =	shalt  }
0x58: {  	_ =	shalt  }
0x59: {  	_ =	shalt  }
0x5a: {  	_ =	shalt  }
0x5b: {  	_ =	shalt  }
0x5c: {  	_ =	shalt  }
0x5d: {  	_ =	shalt  }
0x5e: {  	_ =	shalt  }
0x5f: {  	_ =	shalt  }
0x60: {  	_ =	shalt  }
0x61: {  	_ =	shalt  }
0x62: {  	_ =	shalt  }
0x63: {  	_ =	shalt  }
0x64: {  	_ =	shalt  }
0x65: {  	_ =	shalt  }
0x66: {  	_ =	shalt  }
0x67: {  	_ =	shalt  }
0x68: {  	_ =	shalt  }
0x69: {  	_ =	shalt  }
0x6a: {  	_ =	shalt  }
0x6b: {  	_ =	shalt  }
0x6c: {  	_ =	shalt  }
0x6d: {  	_ =	shalt  }
0x6e: {  	_ =	shalt  }
0x6f: {  	_ =	shalt  }
0x70: {  	_ =	shalt  }
0x71: {  	_ =	shalt  }
0x72: {  	_ =	shalt  }
0x73: {  	_ =	shalt  }
0x74: {  	_ =	shalt  }
0x75: {  	_ =	shalt  }
0x76: {  	_ =	shalt  }
0x77: {  	_ =	shalt  }
0x78: {  	_ =	shalt  }
0x79: {  	_ =	shalt  }
0x7a: {  	_ =	shalt  }
0x7b: {  	_ =	shalt  }
0x7c: {  	_ =	shalt  }
0x7d: {  	_ =	shalt  }
0x7e: {  	_ =	shalt  }
0x7f: {  	_ =	shalt  }
0x80: {  	_ =	shalt  }
0x81: {  	_ =	shalt  }
0x82: {  	_ =	shalt  }
0x83: {  	_ =	shalt  }
0x84: {  	_ =	shalt  }
0x85: {  	_ =	shalt  }
0x86: {  	_ =	shalt  }
0x87: {  	_ =	shalt  }
.Lfunc_end0:
.L_simem_size_0:
called_computation_lowered:
.L_overlay_start_0:
0x88: {  	s2 =	sld [smem:$0x3FD9]  }
0x89: {  	s3 =	sld [smem:$0x3FFE];
	_ =	sdelay $0x1  }
0x8a: {  	s1 =	srdreg.scid  }
0x8b: {  	s0 =	sand.u32 $0x1, s1  }
0x8c: {  	s17 =	sshll.u32 s0, $0xA;
	s2 =	sadd.s32 s3, s2  }
0x8d: {  	s2 =	sadd.s32 s2, s17  }
0x8e: {  	[smem:$0x3FC4] =	sst s2  }
0x8f: {  	_ = 	snop  }
0x90: {  	s2 =	sld [smem:$0x3FD0];
	(tm) =	ssettm $0x1  }
0x91: {  	s18 =	sld [smem:$0x3FFB];
	_ =	sdelay $0x3  }
0x92: {  	_ =	strace s18  }
0x93: {  	s3 =	sld [smem:$0x3FFC];
	_ =	sdelay $0x3  }
0x94: {  	_ =	strace s3  }
0x95: {  	s3 =	sld [smem:$0x3FFD];
	_ =	sdelay $0x3  }
0x96: {  	_ =	strace s3  }
0x97: {  	_ =	strace $0x8FFFFFFF  }
0x98: {  	s19 =	sld [smem:$0x3FDB];
	_ =	sdelay $0x1  }
0x99: {  	s4 =	simm.s32 $_scs_section_size  }
0x9a: {  	s5 =	simm.s32 $_size__tile_overlayer_lowered;
	s6 =	simm.s32 $_tile_overlayer_lowered  }
0x9b: {  	s22 =	simm.s32 $0x1BFF;
	s21 =	sshll.u32 s6, $0x1;
	s3 =	sadd.s32 s4, s19  }
0x9c: {  	s7 =	simm.s32 $0x0;
	s20 =	sshll.u32 s5, $0x1;
	s5 =	sadd.s32 s21, s3  }
0x9d: {  	[timem:s7], [sflag:s22] =	dma.local [hbm:s5], s20  }
0x9e: {  	_ =	swait.ge [sflag:s22], s20  }
0x9f: {  	s4 =	ssub.s32 $0x0, s20;
	[sflag:s22] =	ssyncset.done $0x0  }
0xa0: {  	[sflag:s22] =	ssyncadd.s32 s4;
	_ =	sdelay $0x1  }
0xa1: {  	s23 =	simm.s32 $0x1B8B  }
0xa2: {  	_ =	swait.ge [sflag:s23], $0x1  }
0xa3: {  	[sflag:s23] =	ssyncset.done $0x0  }
0xa4: {  	s25 =	simm.s32 $0x1B8E;
	s24 =	sld [smem:$0x3FFE];
	[sflag:s23] =	ssyncadd.s32 $0xFFFFFFFF  }
0xa5: {  	s26 =	simm.s32 $execute0_lowered;
	[smem:$0x3FD2] =	sst s25  }
0xa6: {  	s5 =	sshll.u32 s26, $0x1;
	_ =	strace $0x80000046;
	[dreg:$0x1] =	wrdreg $0xFFFFFFFF  }
0xa7: {  	s28 =	simm.s32 $_size_execute0_lowered;
	s3 =	sadd.s32 s3, s5;
	[dreg:$0x0] =	wrdreg $0x0  }
0xa8: {  	s5 =	sshll.u32 s28, $0x1;
	[dreg:$0x2] =	wrdreg s3  }
0xa9: {  	[dreg:$0x3] =	wrdreg s5  }
0xaa: {  	[dreg:$0x4] =	wrdreg $0xC0  }
0xab: {  	_ =	task [dreg:s7], $0x5FFFF  }
0xac: {  	[dreg:$0x1] =	wrdreg $0xFFFFFFFF  }
0xad: {  	[dreg:$0x0] =	wrdreg $0x60  }
0xae: {  	[dreg:$0x2] =	wrdreg s24  }
0xaf: {  	[dreg:$0x3] =	wrdreg s2  }
0xb0: {  	[dreg:$0x4] =	wrdreg $0x9  }
0xb1: {  	_ =	task.clear_ibuf [dreg:s7], $0x5FFFF;
	_ =	strace $0x90000046  }
0xb2: {  	s29 =	simm.s32 $0x9;
	_ =	strace $0x80000048  }
0xb3: {  	_ =	swait.ge [sflag:s29], $0x1  }
0xb4: {  	[sflag:s29] =	ssyncadd.s32 $0xFFFFFFFF  }
0xb5: {  	_ =	strace $0x90000048  }
0xb6: {  	_ =	sfence  }
0xb7: {  	s30 =	sld [smem:$0x0];
	_ =	sdelay $0x2  }
0xb8: {  	s31 =	sshll.u32 s1, $0xD;
	s1 =	sshrl.u32 s1, $0x2  }
0xb9: {  	s3 =	sand.u32 $0x4000, s31;
	s1 =	sadd.s32 s1, s30  }
0xba: {  	s0 =	sor.u32 s3, s0;
	s1 =	sshll.u32 s1, $0x11  }
0xbb: {  	s0 =	sor.u32 s1, s0  }
0xbc: {  	s0 =	sadd.s32 $0x8F2B, s0  }
0xbd: {  	[sflag:s0] =	ssyncadd.remote.s32 $0x1  }
0xbe: {  	_ =	sfence.sel $0xFFFF  }
0xbf: {  	[dreg:$0x0] =	wrdreg $0xFFFFFFFF;
	(pc) =	sbr.abs _section_cstart, $3  }
0xc0: {  	[dreg:$0x1] =	wrdreg $0xFFFFFFFF  }
0xc1: {  	_ =	task.clear_ibuf [dreg:s7], $0x2FFFF;
	_ =	strace $0x9FFFFFFF  }
0xc2: {  	(tm) =	ssettm $0x7FFFFFFF  }
0xc3: {  	_ =	shalt  }
tec
execute0_lowered:
.L_overlay_start_1:
0x0: {  	(tag) =	ssettag $0x1  }
0x1: {  	s1 =	srdreg.scid  }
0x2: {  	s0 =	stileid.u32;
	s3 =	rddreg [dreg:$0x0]  }
0x3: {  	s9 =	rddreg [dreg:$0x1];
	s2 =	simm.s32 $0x0;
	s12 =	simm.s32 $0x6400  }
0x4: {  	s13 =	simm.s32 $0xA400;
	s14 =	simm.s32 $0x100;
	s15 =	simm.s32 $0xE400  }
0x5: {  	s16 =	simm.s32 $0x180;
	s17 =	simm.s32 $0x12400;
	s18 =	simm.s32 $0x1  }
0x6: {  	s19 =	simm.s32 $0x2;
	s20 =	simm.s32 $0x3;
	s21 =	simm.s32 $0x4  }
0x7: {  	s22 =	simm.s32 $0x0;
	s4 =	sand.u32 $0x1, s1;
	s1 =	rddreg [dreg:$0x2]  }
0x8: {  	s26 =	sshll.u32 s0, $0x1;
	[smem:$0x7FF] =	sst s2;
	s8 =	smul.u32 $0x640000, s0  }
0x9: {  	s5 =	sor.u32 s4, s26;
	s28 =	ssub.s32 $0x2, s4;
	s11 =	smul.u32 $0x320000, s4  }
0xa: {  	_ =	strace $0x80000047;
	s6 =	smul.u32 $0xC80, s5;
	s10 =	sshrl.u32 s28, $0x1  }
0xb: {  	s7 =	smul.u32 $0x320000, s5;
	s5 =	ssub.s32 s28, s10;
	s30 =	sadd.s32 s11, s8  }
0xc: {  	s11 =	simm.s32 $0x80;
	s6 =	sadd.s32 s6, s3;
	s3 =	sadd.s32 $0x19800, s3  }
0xd: {  	s5 =	smax.u32 s5, $0x1;
	s29 =	sshrl.u32 s7, $0x3;
	s8 =	sor.u32 $0x10000, s30  }
0xe: {  	s31 =	sor.u32 $0x18000, s30;
	s4 =	sadd.s32 $0x800, s6;
	s6 =	sadd.s32 s9, s29  }
0xf: {  	s8 =	sshrl.u32 s8, $0x3;
	s10 =	sshrl.u32 s31, $0x3;
	s7 =	sadd.s32 $0x1000, s6  }
0x10: {  	s8 =	sadd.s32 s8, s9;
	s9 =	sadd.s32 s10, s9;
	s10 =	simm.s32 $0x5  }
.LBB2_1:
0x11: {  	[tilespmem:s2], [sflag:$0x5] =	stream.linear.gather [hbm4b:s4+s2], $0x6400, $0x38;
	[tilespmem:$0x16400] =	vst v63  }
0x12: {  	_ =	swait.ge [sflag:s10], $0x6400  }
0x13: {  	[sflag:s10] =	ssyncset.done $0x0  }
0x14: {  	[sflag:s10] =	ssyncadd.s32 $0xFFFF9C00  }
0x15: {  	[tilespmem:s12], [sflag:$0x1] =	stream.indirect.gather [hbm4b:s3+s11], $0x80, s2, s11, $0xb8;
	[tilespmem:$0x16400] =	vst v63  }
0x16: {  	_ = 	snop  }
0x17: {  	[tilespmem:s13], [sflag:$0x1] =	stream.indirect.gather [hbm4b:s3+s11], $0x80, s11, s11, $0xb8;
	[tilespmem:$0x16400] =	vst v63  }
0x18: {  	_ = 	snop  }
0x19: {  	[tilespmem:s15], [sflag:$0x2] =	stream.indirect.gather [hbm4b:s3+s11], $0x80, s14, s11, $0xb8;
	[tilespmem:$0x16400] =	vst v63  }
0x1a: {  	_ = 	snop  }
0x1b: {  	[tilespmem:s17], [sflag:$0x2] =	stream.indirect.gather [hbm4b:s3+s11], $0x80, s16, s11, $0xb8;
	[tilespmem:$0x16400] =	vst v63  }
0x1c: {  	_ =	swait.ge [sflag:s18], $0x4000  }
0x1d: {  	[sflag:s18] =	ssyncset.done $0x0  }
0x1e: {  	[sflag:s18] =	ssyncadd.s32 $0xFFFFC000  }
0x1f: {  	_ =	swait.ge [sflag:s18], $0x4000  }
0x20: {  	[sflag:s18] =	ssyncset.done $0x0  }
0x21: {  	[sflag:s18] =	ssyncadd.s32 $0xFFFFC000  }
0x22: {  	[hbm4b:s6+s2] =	stream.linear.scatter [tilespmem:s12], [sflag:$0x3], $0x8000, $0x38;
	[tilespmem:$0x16400] =	vst v63  }
0x23: {  	_ =	swait.ge [sflag:s19], $0x4000  }
0x24: {  	[sflag:s19] =	ssyncset.done $0x0  }
0x25: {  	[sflag:s19] =	ssyncadd.s32 $0xFFFFC000  }
0x26: {  	_ =	swait.ge [sflag:s19], $0x4000  }
0x27: {  	[sflag:s19] =	ssyncset.done $0x0  }
0x28: {  	[sflag:s19] =	ssyncadd.s32 $0xFFFFC000  }
0x29: {  	[hbm4b:s7+s2] =	stream.linear.scatter [tilespmem:s15], [sflag:$0x4], $0x8000, $0x38;
	[tilespmem:$0x16400] =	vst v63  }
0x2a: {  	_ =	swait.ge [sflag:s20], $0x8000  }
0x2b: {  	[sflag:s20] =	ssyncset.done $0x0  }
0x2c: {  	s23 =	simm.s32 $0x200;
	[sflag:s20] =	ssyncadd.s32 $0xFFFF8000  }
0x2d: {  	[tilespmem:s12], [sflag:$0x1] =	stream.indirect.gather [hbm4b:s3+s11], $0x80, s23, s11, $0xb8;
	[tilespmem:$0x16400] =	vst v63  }
0x2e: {  	s29 =	simm.s32 $0x280  }
0x2f: {  	[tilespmem:s13], [sflag:$0x1] =	stream.indirect.gather [hbm4b:s3+s11], $0x80, s29, s11, $0xb8;
	[tilespmem:$0x16400] =	vst v63  }
0x30: {  	_ =	swait.ge [sflag:s21], $0x8000  }
0x31: {  	[sflag:s21] =	ssyncset.done $0x0  }
0x32: {  	s30 =	simm.s32 $0x300;
	[sflag:s21] =	ssyncadd.s32 $0xFFFF8000  }
0x33: {  	[tilespmem:s15], [sflag:$0x2] =	stream.indirect.gather [hbm4b:s3+s11], $0x80, s30, s11, $0xb8;
	[tilespmem:$0x16400] =	vst v63  }
0x34: {  	s31 =	simm.s32 $0x380  }
0x35: {  	[tilespmem:s17], [sflag:$0x2] =	stream.indirect.gather [hbm4b:s3+s11], $0x80, s31, s11, $0xb8;
	[tilespmem:$0x16400] =	vst v63  }
0x36: {  	_ =	swait.ge [sflag:s18], $0x4000  }
0x37: {  	[sflag:s18] =	ssyncset.done $0x0  }
0x38: {  	[sflag:s18] =	ssyncadd.s32 $0xFFFFC000  }
0x39: {  	_ =	swait.ge [sflag:s18], $0x4000  }
0x3a: {  	[sflag:s18] =	ssyncset.done $0x0  }
0x3b: {  	[sflag:s18] =	ssyncadd.s32 $0xFFFFC000  }
0x3c: {  	[hbm4b:s8+s2] =	stream.linear.scatter [tilespmem:s12], [sflag:$0x3], $0x8000, $0x38;
	[tilespmem:$0x16400] =	vst v63  }
0x3d: {  	_ =	swait.ge [sflag:s19], $0x4000  }
0x3e: {  	[sflag:s19] =	ssyncset.done $0x0  }
0x3f: {  	[sflag:s19] =	ssyncadd.s32 $0xFFFFC000  }
0x40: {  	_ =	swait.ge [sflag:s19], $0x4000  }
0x41: {  	s24 =	sadd.s32 $0x2000, s8;
	s25 =	sadd.s32 $0x2000, s9;
	[sflag:s19] =	ssyncset.done $0x0  }
0x42: {  	s26 =	smov.u32 s9;
	s23 =	simm.s32 $0x800;
	[sflag:s19] =	ssyncadd.s32 $0xFFFFC000  }
.LBB2_2:
0x43: {  	[hbm4b:s26+s2] =	stream.linear.scatter [tilespmem:s15], [sflag:$0x4], $0x8000, $0x38;
	[tilespmem:$0x16400] =	vst v63  }
0x44: {  	s28 =	smov.u32 s23;
	s26 =	smov.u32 s25  }
0x45: {  	p0 =	sne.s32 s23, $0x18000;
	s23 =	sadd.s32 $0x800, s23;
	_ =	swait.ge [sflag:s20], $0x8000  }
0x46: {  	s28 =	sshra.s32 s28, $0x2;
	[sflag:s20] =	ssyncset.done $0x0  }
0x47: {  	s29 =	sadd.s32 $0x200, s28;
	[sflag:s20] =	ssyncadd.s32 $0xFFFF8000  }
0x48: {  	[tilespmem:s12], [sflag:$0x1] =	stream.indirect.gather [hbm4b:s3+s11], $0x80, s29, s11, $0xb8;
	[tilespmem:$0x16400] =	vst v63  }
0x49: {  	s29 =	sadd.s32 $0x280, s28  }
0x4a: {  	[tilespmem:s13], [sflag:$0x1] =	stream.indirect.gather [hbm4b:s3+s11], $0x80, s29, s11, $0xb8;
	[tilespmem:$0x16400] =	vst v63  }
0x4b: {  	_ =	swait.ge [sflag:s21], $0x8000  }
0x4c: {  	[sflag:s21] =	ssyncset.done $0x0  }
0x4d: {  	s29 =	sadd.s32 $0x300, s28;
	[sflag:s21] =	ssyncadd.s32 $0xFFFF8000  }
0x4e: {  	[tilespmem:s15], [sflag:$0x2] =	stream.indirect.gather [hbm4b:s3+s11], $0x80, s29, s11, $0xb8;
	[tilespmem:$0x16400] =	vst v63  }
0x4f: {  	s28 =	sadd.s32 $0x380, s28  }
0x50: {  	[tilespmem:s17], [sflag:$0x2] =	stream.indirect.gather [hbm4b:s3+s11], $0x80, s28, s11, $0xb8;
	[tilespmem:$0x16400] =	vst v63  }
0x51: {  	_ =	swait.ge [sflag:s18], $0x4000  }
0x52: {  	[sflag:s18] =	ssyncset.done $0x0  }
0x53: {  	[sflag:s18] =	ssyncadd.s32 $0xFFFFC000  }
0x54: {  	_ =	swait.ge [sflag:s18], $0x4000  }
0x55: {  	[sflag:s18] =	ssyncset.done $0x0  }
0x56: {  	[sflag:s18] =	ssyncadd.s32 $0xFFFFC000  }
0x57: {  	[hbm4b:s24+s2] =	stream.linear.scatter [tilespmem:s12], [sflag:$0x3], $0x8000, $0x38;
	[tilespmem:$0x16400] =	vst v63  }
0x58: {  	_ =	swait.ge [sflag:s19], $0x4000  }
.Ltmp0:
0x59: {  	[sflag:s19] =	ssyncset.done $0x0;
	(pc) =	sbr.rel @p0 .LBB2_2-.Ltmp0, $4  }
0x5a: {  	[sflag:s19] =	ssyncadd.s32 $0xFFFFC000  }
0x5b: {  	_ =	swait.ge [sflag:s19], $0x4000  }
0x5c: {  	[sflag:s19] =	ssyncset.done $0x0  }
0x5d: {  	s25 =	sadd.s32 $0x2000, s25;
	s24 =	sadd.s32 $0x2000, s24;
	[sflag:s19] =	ssyncadd.s32 $0xFFFFC000  }
0x5e: {  	[hbm4b:s26+s2] =	stream.linear.scatter [tilespmem:s15], [sflag:$0x4], $0x8000, $0x38;
	[tilespmem:$0x16400] =	vst v63  }
0x5f: {  	s22 =	sadd.s32 $0x1, s22  }
0x60: {  	_ =	swait.ge [sflag:s20], $0x8000;
	p0 =	sne.s32 s22, s5  }
.Ltmp1:
0x61: {  	[sflag:s20] =	ssyncset.done $0x0;
	(pc) =	sbr.rel @p0 .LBB2_1-.Ltmp1, $4  }
0x62: {  	[sflag:s20] =	ssyncadd.s32 $0xFFFF8000  }
0x63: {  	_ =	swait.ge [sflag:s21], $0x8000  }
0x64: {  	[sflag:s21] =	ssyncset.done $0x0  }
0x65: {  	[sflag:s21] =	ssyncadd.s32 $0xFFFF8000  }
0x66: {  	_ =	sfence.sel $0x180000  }
0x67: {  	[bflag:$0x0] =	sbarrier.arrive $0xFFFF  }
0x68: {  	p0 =	sne.s32 s0, $0x0;
	_ =	strace $0x90000047  }
0x69: {  	s0 =	sadd.s32 @!p0 $0x100000, s1;
	[bflag:$0x2] =	sbarrier.arrive $0xFFFF  }
0x6a: {  	[sflag:s0] =	ssyncadd.tile.s32 @!p0 $0x1;
	_ =	shalt  }
.Lfunc_end2:
_tile_overlayer_lowered:
.L_overlay_start_2:
0x6b: {  	(tag) =	ssettag $0x2  }
0x6c: {  	s0 =	rddreg [dreg:$0x0];
	s2 =	stileid.u32  }
0x6d: {  	s1 =	rddreg [dreg:$0x1];
	p0 =	sne.s32 s2, $0x0  }
0x6e: {  	s3 =	rddreg [dreg:$0x2];
	[bflag:$0x3] =	sbarrier.arrive $0xFFFF;
	s2 =	simm.s32 @!p0 $0x1C05  }
0x6f: {  	[timem:s3], [sflag:s2] =	dma.local @!p0 [hbm:s0], s1  }
0x70: {  	s0 =	simm.s32 @!p0 $0x5  }
0x71: {  	_ =	swait.ge @!p0 [sflag:s0], s1  }
0x72: {  	s1 =	ssub.s32 @!p0 $0x0, s1;
	[sflag:s0] =	ssyncset.done @!p0 $0x0  }
0x73: {  	[sflag:s0] =	ssyncadd.s32 @!p0 s1  }
0x74: {  	[bflag:$0x3] =	sbarrier.arrive $0xFFFF  }
0x75: {  	_ =	shalt  }

</sc_bundles>
